<compile_context>
chip_gen: v7x
topology: tpu7x:2x2x1
jax: 0.10.2.dev20260603
libtpu: 0.0.44.dev20260713+nightly
codegen_flags: <defaults>
</compile_context>

<pallas_src>
import jax
import jax.numpy as jnp
from jax import lax
from jax.experimental import pallas as pl
from jax.experimental.pallas import tpu as pltpu
from jax.experimental.pallas import tpu_sc as plsc

N = 16384
D = 64
K = 512
W = 128
BLK = 2048
GRID = N // BLK

NC = 2
NS = 16
NW = NC * NS
RPW = N // NW
CHUNK = 128
NCHUNK = RPW // CHUNK

_IDXMASK = 511


def _assign_body(z_ref, c_ref, assign_ref, dc_ref, zaug_ref, caug_ref, dcv_ref):
    i = pl.program_id(0)

    @pl.when(i == 0)
    def _init():
        c = c_ref[...]
        cc = jnp.sum(c * c, axis=1, keepdims=True)
        caug_ref[...] = jnp.concatenate(
            [c, jnp.ones((K, 1), jnp.float32), cc], axis=1)
        dcv_ref[...] = jnp.zeros_like(dcv_ref)

    z = z_ref[...]
    zz = jnp.sum(z * z, axis=1, keepdims=True)
    ones = jnp.ones((BLK, 1), jnp.float32)
    zaug_ref[...] = jnp.concatenate(
        [z, ones, jnp.zeros((BLK, W - D - 1), jnp.float32)], axis=1)
    d2 = jnp.maximum(jax.lax.dot_general(
        jnp.concatenate([-2.0 * z, zz, ones], axis=1), caug_ref[...],
        dimension_numbers=(((1,), (1,)), ((), ())),
        preferred_element_type=jnp.float32,
    ), 0.0)

    iota = jax.lax.broadcasted_iota(jnp.int32, (BLK, K), 1)
    key = (jax.lax.bitcast_convert_type(d2, jnp.int32) & ~_IDXMASK) | iota
    kmin = jnp.min(key, axis=1, keepdims=True)
    assign_ref[...] = kmin & _IDXMASK
    m = jax.lax.bitcast_convert_type(kmin & ~_IDXMASK, jnp.float32)
    dcv_ref[...] += jnp.sqrt(m + 1e-12)

    @pl.when(i == GRID - 1)
    def _finish():
        dc_ref[...] = jnp.sum(dcv_ref[...]).reshape(1, 1)


def _assign_stage(z, centers):
    return pl.pallas_call(
        _assign_body,
        grid=(GRID,),
        in_specs=[
            pl.BlockSpec((BLK, D), lambda i: (i, 0)),
            pl.BlockSpec((K, D), lambda i: (0, 0)),
        ],
        out_specs=[
            pl.BlockSpec((BLK, 1), lambda i: (i, 0)),
            pl.BlockSpec((1, 1), lambda i: (0, 0)),
            pl.BlockSpec((BLK, W), lambda i: (i, 0)),
        ],
        out_shape=[
            jax.ShapeDtypeStruct((N, 1), jnp.int32),
            jax.ShapeDtypeStruct((1, 1), jnp.float32),
            jax.ShapeDtypeStruct((N, W), jnp.float32),
        ],
        scratch_shapes=[
            pltpu.VMEM((K, D + 2), jnp.float32),
            pltpu.VMEM((BLK, 1), jnp.float32),
        ],
    )(z, centers)


def _segsum_kernel(zaug_hbm, idx_hbm, zeros_hbm, sums_hbm,
                   idx_v, zr0, zr1, acc_s, sem0, sem1):
    c = lax.axis_index("c")
    s = lax.axis_index("s")
    wid = s * NC + c

    pltpu.sync_copy(idx_hbm.at[wid], idx_v)

    bufs = (zr0, zr1)
    sems = (sem0, sem1)
    pending = pltpu.async_copy(
        zaug_hbm.at[pl.ds(wid * RPW, CHUNK)], zr0, sem0)

    @pl.when(s == 0)
    def _zero():
        pltpu.sync_copy(zeros_hbm, acc_s)

    plsc.subcore_barrier()

    for j in range(NCHUNK):
        nxt = None
        if j + 1 < NCHUNK:
            nxt = pltpu.async_copy(
                zaug_hbm.at[pl.ds(wid * RPW + (j + 1) * CHUNK, CHUNK)],
                bufs[(j + 1) % 2], sems[(j + 1) % 2])
        pending.wait()
        pltpu.sync_copy(bufs[j % 2], acc_s.at[idx_v.at[j]], add=True)
        pending = nxt

    plsc.subcore_barrier()

    @pl.when(s == 0)
    def _flush():
        pltpu.sync_copy(acc_s, sums_hbm.at[c])


def _segsum_stage(zaug, assign):
    idx3 = assign.reshape(NW, NCHUNK, CHUNK)
    run = pl.kernel(
        _segsum_kernel,
        mesh=plsc.VectorSubcoreMesh(core_axis_name="c", subcore_axis_name="s"),
        out_type=jax.ShapeDtypeStruct((NC, K, W), jnp.float32),
        scratch_types=[
            pltpu.VMEM((NCHUNK, CHUNK), jnp.int32),
            pltpu.VMEM((CHUNK, W), jnp.float32),
            pltpu.VMEM((CHUNK, W), jnp.float32),
            pltpu.VMEM_SHARED((K, W), jnp.float32),
            pltpu.SemaphoreType.DMA,
            pltpu.SemaphoreType.DMA,
        ],
    )
    return run(zaug, idx3, jnp.zeros((K, W), jnp.float32))


def _finish_body(sums_ref, c_ref, w_ref, dc_ref, out_ref):
    both = sums_ref[0] + sums_ref[1]
    sums = both[:, :D]
    counts = both[:, D]
    means = sums / jnp.maximum(counts, 1.0)[:, None]
    diff = c_ref[...] - means
    cd = jnp.sqrt(jnp.sum(diff * diff, axis=1) + 1e-12)
    nonempty = (counts > 0.0).astype(jnp.float32)
    nw = nonempty * w_ref[0, :]
    nc = jnp.sum(nw * cd) / jnp.maximum(jnp.sum(nw), 1e-12)
    out_ref[...] = jnp.full((1, 1), nc + dc_ref[0, 0] / N, jnp.float32)


def _finish_stage(sums_p, centers, weights, dc):
    return pl.pallas_call(
        _finish_body,
        out_shape=jax.ShapeDtypeStruct((1, 1), jnp.float32),
    )(sums_p, centers, weights.reshape(1, K), dc)


@jax.jit
def kernel(z, centers, weights):
    assign, dc, zaug = _assign_stage(z, centers)
    sums_p = _segsum_stage(zaug, assign.reshape(N))
    out = _finish_stage(sums_p, centers, weights, dc)
    return out[0, 0]

# --- scband reference (transcript-rebuilt; emitter-appended) ---
"""Pipeline reference for scband-deep-ect-module-11192684773797 (READ-ONLY COPY).

The authoritative reference and input builder live on the scoring server;
editing this copy changes nothing except your own understanding.
"""

import jax, jax.numpy as jnp
import numpy as np


def setup_inputs(seed: int = 0) -> dict:
    key = jax.random.key(seed)
    k1, k2 = jax.random.split(key)
    z = jax.random.normal(k1, (16384, 64), dtype=jnp.float32)
    centers = jax.random.normal(k2, (512, 64), dtype=jnp.float32)
    weights = jnp.ones((512,), dtype=jnp.float32)
    return {"z": z, "centers": centers, "weights": weights}


def reference(z, centers, weights):
    # DeepECT-style minibatch assignment + loss over the (grown) set of leaf
    # cluster centers, treated as a codebook of K=512 centers.
    K = centers.shape[0]
    # squared euclidean distances [N, K]
    d2 = (jnp.sum(z * z, axis=1, keepdims=True)
          - 2.0 * (z @ centers.T)
          + jnp.sum(centers * centers, axis=1)[None, :])
    d2 = jnp.clip(d2, 0.0)
    # hard assignment of each embedding to its nearest leaf center
    assign = jnp.argmin(d2, axis=1)
    # per-leaf sums / counts of assigned samples (scatter-add / segment_sum)
    sums = jax.ops.segment_sum(z, assign, num_segments=K)
    counts = jax.ops.segment_sum(jnp.ones((z.shape[0],), dtype=z.dtype), assign, num_segments=K)
    batch_means = sums / jnp.clip(counts, 1.0)[:, None]
    nonempty = (counts > 0).astype(z.dtype)
    # NC loss: weighted distance between each non-empty leaf center and the
    # mean of the samples currently assigned to it
    center_dists = jnp.sqrt(jnp.sum((centers - batch_means) ** 2, axis=1) + 1e-12)
    nc_loss = jnp.sum(nonempty * weights * center_dists) / jnp.clip(jnp.sum(nonempty * weights), 1e-12)
    # DC loss: mean distance of each sample to its assigned center
    assigned_d2 = jnp.take_along_axis(d2, assign[:, None], axis=1)[:, 0]
    dc_loss = jnp.mean(jnp.sqrt(assigned_d2 + 1e-12))
    return nc_loss + dc_loss

if __name__ == "__main__":
    import jax
    _d = setup_inputs()
    print(jax.jit(kernel)(*tuple(_d.values())))

</pallas_src>

<mosaic_0001>
#map = affine_map<(d0, d1) -> (0, 0)>
#map1 = affine_map<(d0, d1) -> (0, 0, 0)>
module attributes {stable_mosaic.version = 14 : i64} {
  func.func @_segsum_kernel(%arg0: i32, %arg1: i32, %arg2: memref<16384x128xf32, #tpu.memory_space<hbm>>, %arg3: memref<32x4x128xi32, #tpu.memory_space<hbm>>, %arg4: memref<512x128xf32, #tpu.memory_space<hbm>>, %arg5: memref<2x512x128xf32, #tpu.memory_space<hbm>>, %arg6: memref<4x128xi32, #tpu.memory_space<vmem>>, %arg7: memref<128x128xf32, #tpu.memory_space<vmem>>, %arg8: memref<128x128xf32, #tpu.memory_space<vmem>>, %arg9: memref<512x128xf32, #tpu.memory_space<vmem_shared>>, %arg10: memref<!tpu.dma_semaphore, #tpu.memory_space<semaphore_mem>>, %arg11: memref<!tpu.dma_semaphore, #tpu.memory_space<semaphore_mem>>) attributes {dimension_semantics = [#tpu.dimension_semantics<core_parallel>, #tpu.dimension_semantics<subcore_parallel>], iteration_bounds = array<i64: 2, 16>, scalar_prefetch = 0 : i64, scratch_operands = 6 : i64, tpu.core_type = #tpu.core_type<sc_vector_subcore>, window_params = [{transform_indices = #map}, {transform_indices = #map1}, {transform_indices = #map}, {transform_indices = #map1}]} {
    %mul3A = arith.constant 2 : i32
    %mul3A_0 = arith.muli %arg1, %mul3A : i32
    %add3A = arith.addi %mul3A_0, %arg0 : i32
    "tpu.region"() ({
      %run_scoped3A_56 = tpu.sem_alloc : memref<!tpu.dma_semaphore, #tpu.memory_space<semaphore_mem>>
      %dma_start3A_57 = arith.constant 0 : i32
      %dma_start3A_58 = arith.constant 0 : i32
      %dma_start3A_59 = tpu.memref_slice %arg3[%add3A, %dma_start3A_57, %dma_start3A_58] : memref<32x4x128xi32, #tpu.memory_space<hbm>> -> memref<1x4x128xi32, #tpu.memory_space<hbm>>
      %dma_start3A_60 = tpu.memref_squeeze %dma_start3A_59 : memref<1x4x128xi32, #tpu.memory_space<hbm>> -> memref<4x128xi32, #tpu.memory_space<hbm>>
      %dma_start3A_61 = arith.constant 0 : i32
      %dma_start3A_62 = arith.constant 0 : i32
      %dma_start3A_63 = tpu.memref_slice %arg3[%add3A, %dma_start3A_61, %dma_start3A_62] : memref<32x4x128xi32, #tpu.memory_space<hbm>> -> memref<1x4x128xi32, #tpu.memory_space<hbm>>
      %dma_start3A_64 = tpu.memref_squeeze %dma_start3A_63 : memref<1x4x128xi32, #tpu.memory_space<hbm>> -> memref<4x128xi32, #tpu.memory_space<hbm>>
      tpu.enqueue_dma source(%dma_start3A_64 : memref<4x128xi32, #tpu.memory_space<hbm>>) target(%arg6 : memref<4x128xi32, #tpu.memory_space<vmem>>) target_semaphore(%run_scoped3A_56 : memref<!tpu.dma_semaphore, #tpu.memory_space<semaphore_mem>>)
      %dma_wait3A_65 = arith.constant 0 : i32
      %dma_wait3A_66 = arith.constant 0 : i32
      %dma_wait3A_67 = tpu.memref_slice %arg3[%add3A, %dma_wait3A_65, %dma_wait3A_66] : memref<32x4x128xi32, #tpu.memory_space<hbm>> -> memref<1x4x128xi32, #tpu.memory_space<hbm>>
      %dma_wait3A_68 = tpu.memref_squeeze %dma_wait3A_67 : memref<1x4x128xi32, #tpu.memory_space<hbm>> -> memref<4x128xi32, #tpu.memory_space<hbm>>
      %dma_wait3A_69 = arith.constant 0 : i32
      %dma_wait3A_70 = arith.constant 0 : i32
      %dma_wait3A_71 = tpu.memref_slice %arg3[%add3A, %dma_wait3A_69, %dma_wait3A_70] : memref<32x4x128xi32, #tpu.memory_space<hbm>> -> memref<1x4x128xi32, #tpu.memory_space<hbm>>
      %dma_wait3A_72 = tpu.memref_squeeze %dma_wait3A_71 : memref<1x4x128xi32, #tpu.memory_space<hbm>> -> memref<4x128xi32, #tpu.memory_space<hbm>>
      tpu.wait_dma2 semaphore(%run_scoped3A_56 : memref<!tpu.dma_semaphore, #tpu.memory_space<semaphore_mem>>) src(%dma_wait3A_72 : memref<4x128xi32, #tpu.memory_space<hbm>>) dst(%arg6 : memref<4x128xi32, #tpu.memory_space<vmem>>)
      tpu.yield
    }) : () -> ()
    %mul3A_1 = arith.constant 512 : i32
    %mul3A_2 = arith.muli %add3A, %mul3A_1 : i32
    %dma_start3A = arith.constant 0 : i32
    %dma_start3A_3 = tpu.memref_slice %arg2[%mul3A_2, %dma_start3A] : memref<16384x128xf32, #tpu.memory_space<hbm>> -> memref<128x128xf32, #tpu.memory_space<hbm>>
    %dma_start3A_4 = arith.constant 0 : i32
    %dma_start3A_5 = tpu.memref_slice %arg2[%mul3A_2, %dma_start3A_4] : memref<16384x128xf32, #tpu.memory_space<hbm>> -> memref<128x128xf32, #tpu.memory_space<hbm>>
    tpu.enqueue_dma source(%dma_start3A_5 : memref<128x128xf32, #tpu.memory_space<hbm>>) target(%arg7 : memref<128x128xf32, #tpu.memory_space<vmem>>) target_semaphore(%arg10 : memref<!tpu.dma_semaphore, #tpu.memory_space<semaphore_mem>>)
    %eq3A = arith.constant 0 : i32
    %eq3A_6 = arith.cmpi eq, %arg1, %eq3A : i32
    %convert_element_type3A = arith.extui %eq3A_6 : i1 to i32
    %cond3A = arith.constant 0 : i32
    %cond3A_7 = arith.cmpi ne, %convert_element_type3A, %cond3A : i32
    scf.if %cond3A_7 {
      "tpu.region"() ({
        %run_scoped3A_56 = tpu.sem_alloc : memref<!tpu.dma_semaphore, #tpu.memory_space<semaphore_mem>>
        tpu.enqueue_dma source(%arg4 : memref<512x128xf32, #tpu.memory_space<hbm>>) target(%arg9 : memref<512x128xf32, #tpu.memory_space<vmem_shared>>) target_semaphore(%run_scoped3A_56 : memref<!tpu.dma_semaphore, #tpu.memory_space<semaphore_mem>>)
        tpu.wait_dma2 semaphore(%run_scoped3A_56 : memref<!tpu.dma_semaphore, #tpu.memory_space<semaphore_mem>>) src(%arg4 : memref<512x128xf32, #tpu.memory_space<hbm>>) dst(%arg9 : memref<512x128xf32, #tpu.memory_space<vmem_shared>>)
        tpu.yield
      }) : () -> ()
    } else {
    }
    %barrier3A = arith.constant 0 : index
    tpu.barrier barrier_id(%barrier3A)
    %mul3A_8 = arith.constant 512 : i32
    %mul3A_9 = arith.muli %add3A, %mul3A_8 : i32
    %add3A_10 = arith.constant 128 : i32
    %add3A_11 = arith.addi %mul3A_9, %add3A_10 : i32
    %dma_start3A_12 = arith.constant 0 : i32
    %dma_start3A_13 = tpu.memref_slice %arg2[%add3A_11, %dma_start3A_12] : memref<16384x128xf32, #tpu.memory_space<hbm>> -> memref<128x128xf32, #tpu.memory_space<hbm>>
    %dma_start3A_14 = arith.constant 0 : i32
    %dma_start3A_15 = tpu.memref_slice %arg2[%add3A_11, %dma_start3A_14] : memref<16384x128xf32, #tpu.memory_space<hbm>> -> memref<128x128xf32, #tpu.memory_space<hbm>>
    tpu.enqueue_dma source(%dma_start3A_15 : memref<128x128xf32, #tpu.memory_space<hbm>>) target(%arg8 : memref<128x128xf32, #tpu.memory_space<vmem>>) target_semaphore(%arg11 : memref<!tpu.dma_semaphore, #tpu.memory_space<semaphore_mem>>)
    %dma_wait3A = arith.constant 0 : i32
    %dma_wait3A_16 = tpu.memref_slice %arg2[%mul3A_2, %dma_wait3A] : memref<16384x128xf32, #tpu.memory_space<hbm>> -> memref<128x128xf32, #tpu.memory_space<hbm>>
    %dma_wait3A_17 = arith.constant 0 : i32
    %dma_wait3A_18 = tpu.memref_slice %arg2[%mul3A_2, %dma_wait3A_17] : memref<16384x128xf32, #tpu.memory_space<hbm>> -> memref<128x128xf32, #tpu.memory_space<hbm>>
    tpu.wait_dma2 semaphore(%arg10 : memref<!tpu.dma_semaphore, #tpu.memory_space<semaphore_mem>>) src(%dma_wait3A_18 : memref<128x128xf32, #tpu.memory_space<hbm>>) dst(%arg7 : memref<128x128xf32, #tpu.memory_space<vmem>>)
    %run_scoped3A = arith.constant 0 : i32
    "tpu.region"() ({
      %run_scoped3A_56 = tpu.sem_alloc : memref<!tpu.dma_semaphore, #tpu.memory_space<semaphore_mem>>
      %dma_start3A_57 = arith.constant 0 : i32
      %dma_start3A_58 = tpu.memref_slice %arg6[%run_scoped3A, %dma_start3A_57] : memref<4x128xi32, #tpu.memory_space<vmem>> -> memref<1x128xi32, #tpu.memory_space<vmem>>
      %dma_start3A_59 = tpu.memref_squeeze %dma_start3A_58 : memref<1x128xi32, #tpu.memory_space<vmem>> -> memref<128xi32, #tpu.memory_space<vmem>>
      %dma_start3A_60 = arith.constant 0 : i32
      %dma_start3A_61 = arith.constant 0 : i32
      %dma_start3A_62 = tpu.memref_slice %arg9[%dma_start3A_60, %dma_start3A_61] : memref<512x128xf32, #tpu.memory_space<vmem_shared>> -> memref<512x128xf32, #tpu.memory_space<vmem_shared>>
      tpu.enqueue_indirect_dma source(%arg7 : memref<128x128xf32, #tpu.memory_space<vmem>>) target(%dma_start3A_62 : memref<512x128xf32, #tpu.memory_space<vmem_shared>>) offsets(%dma_start3A_59 : memref<128xi32, #tpu.memory_space<vmem>>) semaphore(%run_scoped3A_56 : memref<!tpu.dma_semaphore, #tpu.memory_space<semaphore_mem>>) {add = true}
      %dma_wait3A_63 = arith.constant 0 : i32
      %dma_wait3A_64 = tpu.memref_slice %arg6[%run_scoped3A, %dma_wait3A_63] : memref<4x128xi32, #tpu.memory_space<vmem>> -> memref<1x128xi32, #tpu.memory_space<vmem>>
      %dma_wait3A_65 = tpu.memref_squeeze %dma_wait3A_64 : memref<1x128xi32, #tpu.memory_space<vmem>> -> memref<128xi32, #tpu.memory_space<vmem>>
      %dma_wait3A_66 = arith.constant 0 : i32
      %dma_wait3A_67 = arith.constant 0 : i32
      %dma_wait3A_68 = tpu.memref_slice %arg9[%dma_wait3A_66, %dma_wait3A_67] : memref<512x128xf32, #tpu.memory_space<vmem_shared>> -> memref<512x128xf32, #tpu.memory_space<vmem_shared>>
      tpu.wait_indirect_dma semaphore(%run_scoped3A_56 : memref<!tpu.dma_semaphore, #tpu.memory_space<semaphore_mem>>) src(%arg7 : memref<128x128xf32, #tpu.memory_space<vmem>>) dst(%dma_wait3A_68 : memref<512x128xf32, #tpu.memory_space<vmem_shared>>)
      tpu.yield
    }) : () -> ()
    %mul3A_19 = arith.constant 512 : i32
    %mul3A_20 = arith.muli %add3A, %mul3A_19 : i32
    %add3A_21 = arith.constant 256 : i32
    %add3A_22 = arith.addi %mul3A_20, %add3A_21 : i32
    %dma_start3A_23 = arith.constant 0 : i32
    %dma_start3A_24 = tpu.memref_slice %arg2[%add3A_22, %dma_start3A_23] : memref<16384x128xf32, #tpu.memory_space<hbm>> -> memref<128x128xf32, #tpu.memory_space<hbm>>
    %dma_start3A_25 = arith.constant 0 : i32
    %dma_start3A_26 = tpu.memref_slice %arg2[%add3A_22, %dma_start3A_25] : memref<16384x128xf32, #tpu.memory_space<hbm>> -> memref<128x128xf32, #tpu.memory_space<hbm>>
    tpu.enqueue_dma source(%dma_start3A_26 : memref<128x128xf32, #tpu.memory_space<hbm>>) target(%arg7 : memref<128x128xf32, #tpu.memory_space<vmem>>) target_semaphore(%arg10 : memref<!tpu.dma_semaphore, #tpu.memory_space<semaphore_mem>>)
    %dma_wait3A_27 = arith.constant 0 : i32
    %dma_wait3A_28 = tpu.memref_slice %arg2[%add3A_11, %dma_wait3A_27] : memref<16384x128xf32, #tpu.memory_space<hbm>> -> memref<128x128xf32, #tpu.memory_space<hbm>>
    %dma_wait3A_29 = arith.constant 0 : i32
    %dma_wait3A_30 = tpu.memref_slice %arg2[%add3A_11, %dma_wait3A_29] : memref<16384x128xf32, #tpu.memory_space<hbm>> -> memref<128x128xf32, #tpu.memory_space<hbm>>
    tpu.wait_dma2 semaphore(%arg11 : memref<!tpu.dma_semaphore, #tpu.memory_space<semaphore_mem>>) src(%dma_wait3A_30 : memref<128x128xf32, #tpu.memory_space<hbm>>) dst(%arg8 : memref<128x128xf32, #tpu.memory_space<vmem>>)
    %run_scoped3A_31 = arith.constant 1 : i32
    "tpu.region"() ({
      %run_scoped3A_56 = tpu.sem_alloc : memref<!tpu.dma_semaphore, #tpu.memory_space<semaphore_mem>>
      %dma_start3A_57 = arith.constant 0 : i32
      %dma_start3A_58 = tpu.memref_slice %arg6[%run_scoped3A_31, %dma_start3A_57] : memref<4x128xi32, #tpu.memory_space<vmem>> -> memref<1x128xi32, #tpu.memory_space<vmem>>
      %dma_start3A_59 = tpu.memref_squeeze %dma_start3A_58 : memref<1x128xi32, #tpu.memory_space<vmem>> -> memref<128xi32, #tpu.memory_space<vmem>>
      %dma_start3A_60 = arith.constant 0 : i32
      %dma_start3A_61 = arith.constant 0 : i32
      %dma_start3A_62 = tpu.memref_slice %arg9[%dma_start3A_60, %dma_start3A_61] : memref<512x128xf32, #tpu.memory_space<vmem_shared>> -> memref<512x128xf32, #tpu.memory_space<vmem_shared>>
      tpu.enqueue_indirect_dma source(%arg8 : memref<128x128xf32, #tpu.memory_space<vmem>>) target(%dma_start3A_62 : memref<512x128xf32, #tpu.memory_space<vmem_shared>>) offsets(%dma_start3A_59 : memref<128xi32, #tpu.memory_space<vmem>>) semaphore(%run_scoped3A_56 : memref<!tpu.dma_semaphore, #tpu.memory_space<semaphore_mem>>) {add = true}
      %dma_wait3A_63 = arith.constant 0 : i32
      %dma_wait3A_64 = tpu.memref_slice %arg6[%run_scoped3A_31, %dma_wait3A_63] : memref<4x128xi32, #tpu.memory_space<vmem>> -> memref<1x128xi32, #tpu.memory_space<vmem>>
      %dma_wait3A_65 = tpu.memref_squeeze %dma_wait3A_64 : memref<1x128xi32, #tpu.memory_space<vmem>> -> memref<128xi32, #tpu.memory_space<vmem>>
      %dma_wait3A_66 = arith.constant 0 : i32
      %dma_wait3A_67 = arith.constant 0 : i32
      %dma_wait3A_68 = tpu.memref_slice %arg9[%dma_wait3A_66, %dma_wait3A_67] : memref<512x128xf32, #tpu.memory_space<vmem_shared>> -> memref<512x128xf32, #tpu.memory_space<vmem_shared>>
      tpu.wait_indirect_dma semaphore(%run_scoped3A_56 : memref<!tpu.dma_semaphore, #tpu.memory_space<semaphore_mem>>) src(%arg8 : memref<128x128xf32, #tpu.memory_space<vmem>>) dst(%dma_wait3A_68 : memref<512x128xf32, #tpu.memory_space<vmem_shared>>)
      tpu.yield
    }) : () -> ()
    %mul3A_32 = arith.constant 512 : i32
    %mul3A_33 = arith.muli %add3A, %mul3A_32 : i32
    %add3A_34 = arith.constant 384 : i32
    %add3A_35 = arith.addi %mul3A_33, %add3A_34 : i32
    %dma_start3A_36 = arith.constant 0 : i32
    %dma_start3A_37 = tpu.memref_slice %arg2[%add3A_35, %dma_start3A_36] : memref<16384x128xf32, #tpu.memory_space<hbm>> -> memref<128x128xf32, #tpu.memory_space<hbm>>
    %dma_start3A_38 = arith.constant 0 : i32
    %dma_start3A_39 = tpu.memref_slice %arg2[%add3A_35, %dma_start3A_38] : memref<16384x128xf32, #tpu.memory_space<hbm>> -> memref<128x128xf32, #tpu.memory_space<hbm>>
    tpu.enqueue_dma source(%dma_start3A_39 : memref<128x128xf32, #tpu.memory_space<hbm>>) target(%arg8 : memref<128x128xf32, #tpu.memory_space<vmem>>) target_semaphore(%arg11 : memref<!tpu.dma_semaphore, #tpu.memory_space<semaphore_mem>>)
    %dma_wait3A_40 = arith.constant 0 : i32
    %dma_wait3A_41 = tpu.memref_slice %arg2[%add3A_22, %dma_wait3A_40] : memref<16384x128xf32, #tpu.memory_space<hbm>> -> memref<128x128xf32, #tpu.memory_space<hbm>>
    %dma_wait3A_42 = arith.constant 0 : i32
    %dma_wait3A_43 = tpu.memref_slice %arg2[%add3A_22, %dma_wait3A_42] : memref<16384x128xf32, #tpu.memory_space<hbm>> -> memref<128x128xf32, #tpu.memory_space<hbm>>
    tpu.wait_dma2 semaphore(%arg10 : memref<!tpu.dma_semaphore, #tpu.memory_space<semaphore_mem>>) src(%dma_wait3A_43 : memref<128x128xf32, #tpu.memory_space<hbm>>) dst(%arg7 : memref<128x128xf32, #tpu.memory_space<vmem>>)
    %run_scoped3A_44 = arith.constant 2 : i32
    "tpu.region"() ({
      %run_scoped3A_56 = tpu.sem_alloc : memref<!tpu.dma_semaphore, #tpu.memory_space<semaphore_mem>>
      %dma_start3A_57 = arith.constant 0 : i32
      %dma_start3A_58 = tpu.memref_slice %arg6[%run_scoped3A_44, %dma_start3A_57] : memref<4x128xi32, #tpu.memory_space<vmem>> -> memref<1x128xi32, #tpu.memory_space<vmem>>
      %dma_start3A_59 = tpu.memref_squeeze %dma_start3A_58 : memref<1x128xi32, #tpu.memory_space<vmem>> -> memref<128xi32, #tpu.memory_space<vmem>>
      %dma_start3A_60 = arith.constant 0 : i32
      %dma_start3A_61 = arith.constant 0 : i32
      %dma_start3A_62 = tpu.memref_slice %arg9[%dma_start3A_60, %dma_start3A_61] : memref<512x128xf32, #tpu.memory_space<vmem_shared>> -> memref<512x128xf32, #tpu.memory_space<vmem_shared>>
      tpu.enqueue_indirect_dma source(%arg7 : memref<128x128xf32, #tpu.memory_space<vmem>>) target(%dma_start3A_62 : memref<512x128xf32, #tpu.memory_space<vmem_shared>>) offsets(%dma_start3A_59 : memref<128xi32, #tpu.memory_space<vmem>>) semaphore(%run_scoped3A_56 : memref<!tpu.dma_semaphore, #tpu.memory_space<semaphore_mem>>) {add = true}
      %dma_wait3A_63 = arith.constant 0 : i32
      %dma_wait3A_64 = tpu.memref_slice %arg6[%run_scoped3A_44, %dma_wait3A_63] : memref<4x128xi32, #tpu.memory_space<vmem>> -> memref<1x128xi32, #tpu.memory_space<vmem>>
      %dma_wait3A_65 = tpu.memref_squeeze %dma_wait3A_64 : memref<1x128xi32, #tpu.memory_space<vmem>> -> memref<128xi32, #tpu.memory_space<vmem>>
      %dma_wait3A_66 = arith.constant 0 : i32
      %dma_wait3A_67 = arith.constant 0 : i32
      %dma_wait3A_68 = tpu.memref_slice %arg9[%dma_wait3A_66, %dma_wait3A_67] : memref<512x128xf32, #tpu.memory_space<vmem_shared>> -> memref<512x128xf32, #tpu.memory_space<vmem_shared>>
      tpu.wait_indirect_dma semaphore(%run_scoped3A_56 : memref<!tpu.dma_semaphore, #tpu.memory_space<semaphore_mem>>) src(%arg7 : memref<128x128xf32, #tpu.memory_space<vmem>>) dst(%dma_wait3A_68 : memref<512x128xf32, #tpu.memory_space<vmem_shared>>)
      tpu.yield
    }) : () -> ()
    %dma_wait3A_45 = arith.constant 0 : i32
    %dma_wait3A_46 = tpu.memref_slice %arg2[%add3A_35, %dma_wait3A_45] : memref<16384x128xf32, #tpu.memory_space<hbm>> -> memref<128x128xf32, #tpu.memory_space<hbm>>
    %dma_wait3A_47 = arith.constant 0 : i32
    %dma_wait3A_48 = tpu.memref_slice %arg2[%add3A_35, %dma_wait3A_47] : memref<16384x128xf32, #tpu.memory_space<hbm>> -> memref<128x128xf32, #tpu.memory_space<hbm>>
    tpu.wait_dma2 semaphore(%arg11 : memref<!tpu.dma_semaphore, #tpu.memory_space<semaphore_mem>>) src(%dma_wait3A_48 : memref<128x128xf32, #tpu.memory_space<hbm>>) dst(%arg8 : memref<128x128xf32, #tpu.memory_space<vmem>>)
    %run_scoped3A_49 = arith.constant 3 : i32
    "tpu.region"() ({
      %run_scoped3A_56 = tpu.sem_alloc : memref<!tpu.dma_semaphore, #tpu.memory_space<semaphore_mem>>
      %dma_start3A_57 = arith.constant 0 : i32
      %dma_start3A_58 = tpu.memref_slice %arg6[%run_scoped3A_49, %dma_start3A_57] : memref<4x128xi32, #tpu.memory_space<vmem>> -> memref<1x128xi32, #tpu.memory_space<vmem>>
      %dma_start3A_59 = tpu.memref_squeeze %dma_start3A_58 : memref<1x128xi32, #tpu.memory_space<vmem>> -> memref<128xi32, #tpu.memory_space<vmem>>
      %dma_start3A_60 = arith.constant 0 : i32
      %dma_start3A_61 = arith.constant 0 : i32
      %dma_start3A_62 = tpu.memref_slice %arg9[%dma_start3A_60, %dma_start3A_61] : memref<512x128xf32, #tpu.memory_space<vmem_shared>> -> memref<512x128xf32, #tpu.memory_space<vmem_shared>>
      tpu.enqueue_indirect_dma source(%arg8 : memref<128x128xf32, #tpu.memory_space<vmem>>) target(%dma_start3A_62 : memref<512x128xf32, #tpu.memory_space<vmem_shared>>) offsets(%dma_start3A_59 : memref<128xi32, #tpu.memory_space<vmem>>) semaphore(%run_scoped3A_56 : memref<!tpu.dma_semaphore, #tpu.memory_space<semaphore_mem>>) {add = true}
      %dma_wait3A_63 = arith.constant 0 : i32
      %dma_wait3A_64 = tpu.memref_slice %arg6[%run_scoped3A_49, %dma_wait3A_63] : memref<4x128xi32, #tpu.memory_space<vmem>> -> memref<1x128xi32, #tpu.memory_space<vmem>>
      %dma_wait3A_65 = tpu.memref_squeeze %dma_wait3A_64 : memref<1x128xi32, #tpu.memory_space<vmem>> -> memref<128xi32, #tpu.memory_space<vmem>>
      %dma_wait3A_66 = arith.constant 0 : i32
      %dma_wait3A_67 = arith.constant 0 : i32
      %dma_wait3A_68 = tpu.memref_slice %arg9[%dma_wait3A_66, %dma_wait3A_67] : memref<512x128xf32, #tpu.memory_space<vmem_shared>> -> memref<512x128xf32, #tpu.memory_space<vmem_shared>>
      tpu.wait_indirect_dma semaphore(%run_scoped3A_56 : memref<!tpu.dma_semaphore, #tpu.memory_space<semaphore_mem>>) src(%arg8 : memref<128x128xf32, #tpu.memory_space<vmem>>) dst(%dma_wait3A_68 : memref<512x128xf32, #tpu.memory_space<vmem_shared>>)
      tpu.yield
    }) : () -> ()
    %barrier3A_50 = arith.constant 0 : index
    tpu.barrier barrier_id(%barrier3A_50)
    %eq3A_51 = arith.constant 0 : i32
    %eq3A_52 = arith.cmpi eq, %arg1, %eq3A_51 : i32
    %convert_element_type3A_53 = arith.extui %eq3A_52 : i1 to i32
    %cond3A_54 = arith.constant 0 : i32
    %cond3A_55 = arith.cmpi ne, %convert_element_type3A_53, %cond3A_54 : i32
    scf.if %cond3A_55 {
      "tpu.region"() ({
        %run_scoped3A_56 = tpu.sem_alloc : memref<!tpu.dma_semaphore, #tpu.memory_space<semaphore_mem>>
        %dma_start3A_57 = arith.constant 0 : i32
        %dma_start3A_58 = arith.constant 0 : i32
        %dma_start3A_59 = tpu.memref_slice %arg5[%arg0, %dma_start3A_57, %dma_start3A_58] : memref<2x512x128xf32, #tpu.memory_space<hbm>> -> memref<1x512x128xf32, #tpu.memory_space<hbm>>
        %dma_start3A_60 = tpu.memref_squeeze %dma_start3A_59 : memref<1x512x128xf32, #tpu.memory_space<hbm>> -> memref<512x128xf32, #tpu.memory_space<hbm>>
        tpu.enqueue_dma source(%arg9 : memref<512x128xf32, #tpu.memory_space<vmem_shared>>) target(%dma_start3A_60 : memref<512x128xf32, #tpu.memory_space<hbm>>) target_semaphore(%run_scoped3A_56 : memref<!tpu.dma_semaphore, #tpu.memory_space<semaphore_mem>>)
        %dma_wait3A_61 = arith.constant 0 : i32
        %dma_wait3A_62 = arith.constant 0 : i32
        %dma_wait3A_63 = tpu.memref_slice %arg5[%arg0, %dma_wait3A_61, %dma_wait3A_62] : memref<2x512x128xf32, #tpu.memory_space<hbm>> -> memref<1x512x128xf32, #tpu.memory_space<hbm>>
        %dma_wait3A_64 = tpu.memref_squeeze %dma_wait3A_63 : memref<1x512x128xf32, #tpu.memory_space<hbm>> -> memref<512x128xf32, #tpu.memory_space<hbm>>
        tpu.wait_dma2 semaphore(%run_scoped3A_56 : memref<!tpu.dma_semaphore, #tpu.memory_space<semaphore_mem>>) src(%arg9 : memref<512x128xf32, #tpu.memory_space<vmem_shared>>) dst(%dma_wait3A_64 : memref<512x128xf32, #tpu.memory_space<hbm>>)
        tpu.yield
      }) : () -> ()
    } else {
    }
    return
  }
}

module attributes {stable_mosaic.version = 14 : i64} {
  func.func @_assign_body(%arg0: i32, %arg1: memref<2048x64xf32, #tpu.memory_space<vmem>>, %arg2: memref<512x64xf32, #tpu.memory_space<vmem>>, %arg3: memref<2048x1xi32, #tpu.memory_space<vmem>>, %arg4: memref<1x1xf32, #tpu.memory_space<vmem>>, %arg5: memref<2048x128xf32, #tpu.memory_space<vmem>>, %arg6: memref<512x66xf32, #tpu.memory_space<vmem>>, %arg7: memref<2048x1xf32, #tpu.memory_space<vmem>>) attributes {dimension_semantics = [#tpu.dimension_semantics<arbitrary>], iteration_bounds = array<i64: 8>, scalar_prefetch = 0 : i64, scratch_operands = 2 : i64, tpu.core_type = #tpu.core_type<tc>, window_params = [{transform_indices = @transform_0, window_bounds = array<i64: 2048, 64>}, {pipeline_mode = #tpu.pipeline_mode<synchronous>, transform_indices = @transform_1, window_bounds = array<i64: 512, 64>}, {transform_indices = @transform_2, window_bounds = array<i64: 2048, 1>}, {pipeline_mode = #tpu.pipeline_mode<synchronous>, transform_indices = @transform_3, window_bounds = array<i64: 1, 1>}, {transform_indices = @transform_4, window_bounds = array<i64: 2048, 128>}]} {
    %eq3A = arith.constant 0 : i32
    %eq3A_0 = arith.cmpi eq, %arg0, %eq3A : i32
    %convert_element_type3A = arith.extui %eq3A_0 : i1 to i32
    %cond3A = arith.constant 0 : i32
    %cond3A_1 = arith.cmpi ne, %convert_element_type3A, %cond3A : i32
    scf.if %cond3A_1 {
      %get3A_49 = arith.constant 0 : index
      %get3A_50 = arith.constant 0 : index
      %get3A_51 = vector.load %arg2[%get3A_49, %get3A_50] : memref<512x64xf32, #tpu.memory_space<vmem>>, vector<512x64xf32>
      %mul3A_52 = arith.mulf %get3A_51, %get3A_51 : vector<512x64xf32>
      %reduce_sum3A_53 = arith.constant dense<0.000000e+00> : vector<512xf32>
      %reduce_sum3A_54 = vector.multi_reduction <add>, %mul3A_52, %reduce_sum3A_53 [1] : vector<512x64xf32> to vector<512xf32>
      %broadcast_in_dim3A_55 = vector.shape_cast %reduce_sum3A_54 : vector<512xf32> to vector<512x1xf32>
      %broadcast_in_dim3A_56 = arith.constant 1.000000e+00 : f32
      %broadcast_in_dim3A_57 = vector.broadcast %broadcast_in_dim3A_56 : f32 to vector<512x1xf32>
      %concatenate3A_58 = tpu.concatenate %get3A_51, %broadcast_in_dim3A_57, %broadcast_in_dim3A_55 in 1 : vector<512x64xf32>, vector<512x1xf32>, vector<512x1xf32> -> vector<512x66xf32>
      %swap3A_59 = arith.constant 0 : index
      %swap3A_60 = arith.constant 0 : index
      %swap3A_61 = vector.load %arg6[%swap3A_59, %swap3A_60] : memref<512x66xf32, #tpu.memory_space<vmem>>, vector<512x66xf32>
      tpu.vector_store %arg6[%swap3A_59, %swap3A_60], %concatenate3A_58 {strides = array<i32>} : memref<512x66xf32, #tpu.memory_space<vmem>>, vector<512x66xf32>,
      %broadcast_in_dim3A_62 = arith.constant 0.000000e+00 : f32
      %broadcast_in_dim3A_63 = vector.broadcast %broadcast_in_dim3A_62 : f32 to vector<2048x1xf32>
      %swap3A_64 = arith.constant 0 : index
      %swap3A_65 = arith.constant 0 : index
      %swap3A_66 = vector.load %arg7[%swap3A_64, %swap3A_65] : memref<2048x1xf32, #tpu.memory_space<vmem>>, vector<2048x1xf32>
      tpu.vector_store %arg7[%swap3A_64, %swap3A_65], %broadcast_in_dim3A_63 {strides = array<i32>} : memref<2048x1xf32, #tpu.memory_space<vmem>>, vector<2048x1xf32>,
    } else {
    }
    %get3A = arith.constant 0 : index
    %get3A_2 = arith.constant 0 : index
    %get3A_3 = vector.load %arg1[%get3A, %get3A_2] : memref<2048x64xf32, #tpu.memory_space<vmem>>, vector<2048x64xf32>
    %mul3A = arith.mulf %get3A_3, %get3A_3 : vector<2048x64xf32>
    %reduce_sum3A = arith.constant dense<0.000000e+00> : vector<2048xf32>
    %reduce_sum3A_4 = vector.multi_reduction <add>, %mul3A, %reduce_sum3A [1] : vector<2048x64xf32> to vector<2048xf32>
    %broadcast_in_dim3A = vector.shape_cast %reduce_sum3A_4 : vector<2048xf32> to vector<2048x1xf32>
    %broadcast_in_dim3A_5 = arith.constant 1.000000e+00 : f32
    %broadcast_in_dim3A_6 = vector.broadcast %broadcast_in_dim3A_5 : f32 to vector<2048x1xf32>
    %broadcast_in_dim3A_7 = arith.constant 0.000000e+00 : f32
    %broadcast_in_dim3A_8 = vector.broadcast %broadcast_in_dim3A_7 : f32 to vector<2048x63xf32>
    %concatenate3A = tpu.concatenate %get3A_3, %broadcast_in_dim3A_6, %broadcast_in_dim3A_8 in 1 : vector<2048x64xf32>, vector<2048x1xf32>, vector<2048x63xf32> -> vector<2048x128xf32>
    %swap3A = arith.constant 0 : index
    %swap3A_9 = arith.constant 0 : index
    %swap3A_10 = vector.load %arg5[%swap3A, %swap3A_9] : memref<2048x128xf32, #tpu.memory_space<vmem>>, vector<2048x128xf32>
    tpu.vector_store %arg5[%swap3A, %swap3A_9], %concatenate3A {strides = array<i32>} : memref<2048x128xf32, #tpu.memory_space<vmem>>, vector<2048x128xf32>,
    %mul3A_11 = arith.constant -2.000000e+00 : f32
    %mul3A_12 = vector.broadcast %mul3A_11 : f32 to vector<2048x64xf32>
    %mul3A_13 = arith.mulf %mul3A_12, %get3A_3 : vector<2048x64xf32>
    %concatenate3A_14 = tpu.concatenate %mul3A_13, %broadcast_in_dim3A, %broadcast_in_dim3A_6 in 1 : vector<2048x64xf32>, vector<2048x1xf32>, vector<2048x1xf32> -> vector<2048x66xf32>
    %get3A_15 = arith.constant 0 : index
    %get3A_16 = arith.constant 0 : index
    %get3A_17 = vector.load %arg6[%get3A_15, %get3A_16] : memref<512x66xf32, #tpu.memory_space<vmem>>, vector<512x66xf32>
    %dot_general3A = arith.constant dense<0.000000e+00> : vector<2048x512xf32>
    %dot_general3A_18 = tpu.matmul %concatenate3A_14, %get3A_17, %dot_general3A {dimension_numbers = #tpu.dot_dimension_numbers<[1], [1], [0], [0], [0, 0, 1, 0], [], []>, transpose_lhs_hint = false} : vector<2048x66xf32>, vector<512x66xf32>, vector<2048x512xf32> -> vector<2048x512xf32>
    %max3A = arith.constant 0.000000e+00 : f32
    %max3A_19 = vector.broadcast %max3A : f32 to vector<2048x512xf32>
    %max3A_20 = arith.maximumf %dot_general3A_18, %max3A_19 : vector<2048x512xf32>
    %iota3A = tpu.iota {dimensions = array<i32: 1>} : vector<2048x512xi32>
    %bitcast_convert_type3A = tpu.bitcast %max3A_20 : vector<2048x512xf32> -> vector<2048x512xi32>
    %and3A = arith.constant -512 : i32
    %and3A_21 = vector.broadcast %and3A : i32 to vector<2048x512xi32>
    %and3A_22 = arith.andi %bitcast_convert_type3A, %and3A_21 : vector<2048x512xi32>
    %or3A = arith.ori %and3A_22, %iota3A : vector<2048x512xi32>
    %reduce_min3A = arith.constant dense<2147483647> : vector<2048xi32>
    %reduce_min3A_23 = vector.multi_reduction <minsi>, %or3A, %reduce_min3A [1] : vector<2048x512xi32> to vector<2048xi32>
    %broadcast_in_dim3A_24 = vector.shape_cast %reduce_min3A_23 : vector<2048xi32> to vector<2048x1xi32>
    %and3A_25 = arith.constant 511 : i32
    %and3A_26 = vector.broadcast %and3A_25 : i32 to vector<2048x1xi32>
    %and3A_27 = arith.andi %broadcast_in_dim3A_24, %and3A_26 : vector<2048x1xi32>
    %swap3A_28 = arith.constant 0 : index
    %swap3A_29 = arith.constant 0 : index
    %swap3A_30 = vector.load %arg3[%swap3A_28, %swap3A_29] : memref<2048x1xi32, #tpu.memory_space<vmem>>, vector<2048x1xi32>
    tpu.vector_store %arg3[%swap3A_28, %swap3A_29], %and3A_27 {strides = array<i32>} : memref<2048x1xi32, #tpu.memory_space<vmem>>, vector<2048x1xi32>,
    %and3A_31 = arith.constant -512 : i32
    %and3A_32 = vector.broadcast %and3A_31 : i32 to vector<2048x1xi32>
    %and3A_33 = arith.andi %broadcast_in_dim3A_24, %and3A_32 : vector<2048x1xi32>
    %bitcast_convert_type3A_34 = tpu.bitcast %and3A_33 : vector<2048x1xi32> -> vector<2048x1xf32>
    %get3A_35 = arith.constant 0 : index
    %get3A_36 = arith.constant 0 : index
    %get3A_37 = vector.load %arg7[%get3A_35, %get3A_36] : memref<2048x1xf32, #tpu.memory_space<vmem>>, vector<2048x1xf32>
    %add3A = arith.constant 9.99999996E-13 : f32
    %add3A_38 = vector.broadcast %add3A : f32 to vector<2048x1xf32>
    %add3A_39 = arith.addf %bitcast_convert_type3A_34, %add3A_38 : vector<2048x1xf32>
    %sqrt3A = math.sqrt %add3A_39 : vector<2048x1xf32>
    %add3A_40 = arith.addf %get3A_37, %sqrt3A : vector<2048x1xf32>
    %swap3A_41 = arith.constant 0 : index
    %swap3A_42 = arith.constant 0 : index
    %swap3A_43 = vector.load %arg7[%swap3A_41, %swap3A_42] : memref<2048x1xf32, #tpu.memory_space<vmem>>, vector<2048x1xf32>
    tpu.vector_store %arg7[%swap3A_41, %swap3A_42], %add3A_40 {strides = array<i32>} : memref<2048x1xf32, #tpu.memory_space<vmem>>, vector<2048x1xf32>,
    %eq3A_44 = arith.constant 7 : i32
    %eq3A_45 = arith.cmpi eq, %arg0, %eq3A_44 : i32
    %convert_element_type3A_46 = arith.extui %eq3A_45 : i1 to i32
    %cond3A_47 = arith.constant 0 : i32
    %cond3A_48 = arith.cmpi ne, %convert_element_type3A_46, %cond3A_47 : i32
    scf.if %cond3A_48 {
      %get3A_49 = arith.constant 0 : index
      %get3A_50 = arith.constant 0 : index
      %get3A_51 = vector.load %arg7[%get3A_49, %get3A_50] : memref<2048x1xf32, #tpu.memory_space<vmem>>, vector<2048x1xf32>
      %reduce_sum3A_52 = vector.shape_cast %get3A_51 : vector<2048x1xf32> to vector<1x2048x1xf32>
      %reduce_sum3A_53 = arith.constant dense<0.000000e+00> : vector<1xf32>
      %reduce_sum3A_54 = vector.multi_reduction <add>, %reduce_sum3A_52, %reduce_sum3A_53 [1, 2] : vector<1x2048x1xf32> to vector<1xf32>
      %reduce_sum3A_55 = vector.shape_cast %reduce_sum3A_54 : vector<1xf32> to vector<1x1x1xf32>
      %reduce_sum3A_56 = vector.extract %reduce_sum3A_55[0, 0, 0] : f32 from vector<1x1x1xf32>
      %reshape3A = vector.broadcast %reduce_sum3A_56 : f32 to vector<1x1xf32>
      %swap3A_57 = arith.constant 0 : index
      %swap3A_58 = arith.constant 0 : index
      %swap3A_59 = vector.load %arg4[%swap3A_57, %swap3A_58] : memref<1x1xf32, #tpu.memory_space<vmem>>, vector<1x1xf32>
      tpu.vector_store %arg4[%swap3A_57, %swap3A_58], %reshape3A {strides = array<i32>} : memref<1x1xf32, #tpu.memory_space<vmem>>, vector<1x1xf32>,
    } else {
    }
    return
  }
  func.func @transform_0(%arg0: i32) -> (i32, i32) {
    %c0_i32 = arith.constant 0 : i32
    %c0_i32_0 = arith.constant 0 : i32
    return %arg0, %c0_i32 : i32, i32
  }
  func.func @transform_1(%arg0: i32) -> (i32, i32) {
    %c0_i32 = arith.constant 0 : i32
    %c0_i32_0 = arith.constant 0 : i32
    %c0_i32_1 = arith.constant 0 : i32
    return %c0_i32, %c0_i32_0 : i32, i32
  }
  func.func @transform_2(%arg0: i32) -> (i32, i32) {
    %c0_i32 = arith.constant 0 : i32
    %c0_i32_0 = arith.constant 0 : i32
    return %arg0, %c0_i32 : i32, i32
  }
  func.func @transform_3(%arg0: i32) -> (i32, i32) {
    %c0_i32 = arith.constant 0 : i32
    %c0_i32_0 = arith.constant 0 : i32
    %c0_i32_1 = arith.constant 0 : i32
    return %c0_i32, %c0_i32_0 : i32, i32
  }
  func.func @transform_4(%arg0: i32) -> (i32, i32) {
    %c0_i32 = arith.constant 0 : i32
    %c0_i32_0 = arith.constant 0 : i32
    return %arg0, %c0_i32 : i32, i32
  }
}

module attributes {stable_mosaic.version = 14 : i64} {
  func.func @_finish_body(%arg0: memref<2x512x128xf32, #tpu.memory_space<vmem>>, %arg1: memref<512x64xf32, #tpu.memory_space<vmem>>, %arg2: memref<1x512xf32, #tpu.memory_space<vmem>>, %arg3: memref<1x1xf32, #tpu.memory_space<vmem>>, %arg4: memref<1x1xf32, #tpu.memory_space<vmem>>) attributes {dimension_semantics = [], scalar_prefetch = 0 : i64, scratch_operands = 0 : i64, tpu.core_type = #tpu.core_type<tc>} {
    %get3A = arith.constant 0 : index
    %get3A_0 = arith.constant 0 : index
    %get3A_1 = arith.constant 0 : index
    %get3A_2 = vector.load %arg0[%get3A, %get3A_0, %get3A_1] : memref<2x512x128xf32, #tpu.memory_space<vmem>>, vector<1x512x128xf32>
    %get3A_3 = vector.shape_cast %get3A_2 : vector<1x512x128xf32> to vector<512x128xf32>
    %get3A_4 = arith.constant 1 : index
    %get3A_5 = arith.constant 0 : index
    %get3A_6 = arith.constant 0 : index
    %get3A_7 = vector.load %arg0[%get3A_4, %get3A_5, %get3A_6] : memref<2x512x128xf32, #tpu.memory_space<vmem>>, vector<1x512x128xf32>
    %get3A_8 = vector.shape_cast %get3A_7 : vector<1x512x128xf32> to vector<512x128xf32>
    %add3A = arith.addf %get3A_3, %get3A_8 : vector<512x128xf32>
    %slice3A = vector.extract_strided_slice %add3A {offsets = [0, 0], sizes = [512, 64], strides = [1, 1]} : vector<512x128xf32> to vector<512x64xf32>
    %slice3A_9 = vector.extract_strided_slice %add3A {offsets = [0, 64], sizes = [512, 1], strides = [1, 1]} : vector<512x128xf32> to vector<512x1xf32>
    %squeeze3A = vector.shape_cast %slice3A_9 : vector<512x1xf32> to vector<512xf32>
    %max3A = arith.constant 1.000000e+00 : f32
    %max3A_10 = vector.broadcast %max3A : f32 to vector<512xf32>
    %max3A_11 = arith.maximumf %squeeze3A, %max3A_10 : vector<512xf32>
    %broadcast_in_dim3A = vector.shape_cast %max3A_11 : vector<512xf32> to vector<512x1xf32>
    %div3A = vector.broadcast %broadcast_in_dim3A : vector<512x1xf32> to vector<512x64xf32>
    %div3A_12 = arith.divf %slice3A, %div3A : vector<512x64xf32>
    %get3A_13 = arith.constant 0 : index
    %get3A_14 = arith.constant 0 : index
    %get3A_15 = vector.load %arg1[%get3A_13, %get3A_14] : memref<512x64xf32, #tpu.memory_space<vmem>>, vector<512x64xf32>
    %sub3A = arith.subf %get3A_15, %div3A_12 : vector<512x64xf32>
    %mul3A = arith.mulf %sub3A, %sub3A : vector<512x64xf32>
    %reduce_sum3A = arith.constant dense<0.000000e+00> : vector<512xf32>
    %reduce_sum3A_16 = vector.multi_reduction <add>, %mul3A, %reduce_sum3A [1] : vector<512x64xf32> to vector<512xf32>
    %add3A_17 = arith.constant 9.99999996E-13 : f32
    %add3A_18 = vector.broadcast %add3A_17 : f32 to vector<512xf32>
    %add3A_19 = arith.addf %reduce_sum3A_16, %add3A_18 : vector<512xf32>
    %sqrt3A = math.sqrt %add3A_19 : vector<512xf32>
    %gt3A = arith.constant 0.000000e+00 : f32
    %gt3A_20 = vector.broadcast %gt3A : f32 to vector<512xf32>
    %gt3A_21 = arith.cmpf ogt, %squeeze3A, %gt3A_20 : vector<512xf32>
    %convert_element_type3A = arith.extui %gt3A_21 : vector<512xi1> to vector<512xi32>
    %convert_element_type3A_22 = arith.sitofp %convert_element_type3A : vector<512xi32> to vector<512xf32>
    %get3A_23 = arith.constant 0 : index
    %get3A_24 = arith.constant 0 : index
    %get3A_25 = vector.load %arg2[%get3A_23, %get3A_24] : memref<1x512xf32, #tpu.memory_space<vmem>>, vector<1x512xf32>
    %get3A_26 = vector.shape_cast %get3A_25 : vector<1x512xf32> to vector<512xf32>
    %mul3A_27 = arith.mulf %convert_element_type3A_22, %get3A_26 : vector<512xf32>
    %mul3A_28 = arith.mulf %mul3A_27, %sqrt3A : vector<512xf32>
    %reduce_sum3A_29 = vector.shape_cast %mul3A_28 : vector<512xf32> to vector<1x512xf32>
    %reduce_sum3A_30 = arith.constant dense<0.000000e+00> : vector<1xf32>
    %reduce_sum3A_31 = vector.multi_reduction <add>, %reduce_sum3A_29, %reduce_sum3A_30 [1] : vector<1x512xf32> to vector<1xf32>
    %reduce_sum3A_32 = vector.shape_cast %reduce_sum3A_31 : vector<1xf32> to vector<1x1xf32>
    %reduce_sum3A_33 = vector.extract %reduce_sum3A_32[0, 0] : f32 from vector<1x1xf32>
    %reduce_sum3A_34 = vector.shape_cast %mul3A_27 : vector<512xf32> to vector<1x512xf32>
    %reduce_sum3A_35 = arith.constant dense<0.000000e+00> : vector<1xf32>
    %reduce_sum3A_36 = vector.multi_reduction <add>, %reduce_sum3A_34, %reduce_sum3A_35 [1] : vector<1x512xf32> to vector<1xf32>
    %reduce_sum3A_37 = vector.shape_cast %reduce_sum3A_36 : vector<1xf32> to vector<1x1xf32>
    %reduce_sum3A_38 = vector.extract %reduce_sum3A_37[0, 0] : f32 from vector<1x1xf32>
    %max3A_39 = arith.constant 9.99999996E-13 : f32
    %max3A_40 = arith.maximumf %reduce_sum3A_38, %max3A_39 : f32
    %div3A_41 = arith.divf %reduce_sum3A_33, %max3A_40 : f32
    %get3A_42 = arith.constant 0 : index
    %get3A_43 = arith.constant 0 : index
    %get3A_44 = vector.load %arg3[%get3A_42, %get3A_43] : memref<1x1xf32, #tpu.memory_space<vmem>>, vector<1x1xf32>
    %get3A_45 = vector.extract %get3A_44[0, 0] : f32 from vector<1x1xf32>
    %div3A_46 = arith.constant 1.638400e+04 : f32
    %div3A_47 = arith.divf %get3A_45, %div3A_46 : f32
    %add3A_48 = arith.addf %div3A_41, %div3A_47 : f32
    %broadcast_in_dim3A_49 = vector.broadcast %add3A_48 : f32 to vector<1x1xf32>
    %swap3A = arith.constant 0 : index
    %swap3A_50 = arith.constant 0 : index
    %swap3A_51 = vector.load %arg4[%swap3A, %swap3A_50] : memref<1x1xf32, #tpu.memory_space<vmem>>, vector<1x1xf32>
    tpu.vector_store %arg4[%swap3A, %swap3A_50], %broadcast_in_dim3A_49 {strides = array<i32>} : memref<1x1xf32, #tpu.memory_space<vmem>>, vector<1x1xf32>,
    return
  }
}

</mosaic_0001>

<sc_bundles>
// kernel: kernel.5.cloned.1.call-start
scs
__scs_entry_jumppad:
0x0: {  	(pc) =	sbr.rel $0x88, $3  }
0x1: {  	(tag) =	ssettag $0x0;
	lr =	simm.s32 $0x1  }
0x2: {  	[smem:$0x3F9E] =	sst lr;
	_ =	strace $0xD0000000  }
0x3: {  	_ = 	snop  }
0x4: {  	_ = 	snop  }
0x5: {  	_ = 	snop  }
0x6: {  	_ = 	snop  }
0x7: {  	_ = 	snop  }
__scs_overlays_trampoline_lowered:
0x8: {  	[smem:$0x3FAD] =	sst s0  }
0x9: {  	[smem:$0x3FAE] =	sst s1  }
0xa: {  	[smem:$0x3FAF] =	sst s2  }
0xb: {  	[smem:$0x3FB0] =	sst s3  }
0xc: {  	[smem:$0x3FB1] =	sst s4  }
0xd: {  	[smem:$0x3FB2] =	sst s5  }
0xe: {  	[smem:$0x3FB3] =	sst s6  }
0xf: {  	[smem:$0x3FB4] =	sst s7  }
0x10: {  	[smem:$0x3FB5] =	sst s8  }
0x11: {  	[smem:$0x3FB6] =	sst s9;
	s0 =	simm.s32 @!p0 $0x0  }
0x12: {  	s1 =	sld [smem:$0x3F9C];
	s0 =	simm.s32 @p0 $0x1  }
0x13: {  	[smem:$0x3FB7] =	sst s0;
	s0 =	simm.s32 @!p1 $0x0  }
0x14: {  	s2 =	sld [smem:$0x3F9B];
	s0 =	simm.s32 @p1 $0x1  }
0x15: {  	[smem:$0x3FB8] =	sst s0;
	s0 =	simm.s32 @!p2 $0x0  }
0x16: {  	s3 =	sld [smem:$0x3FDB];
	s0 =	simm.s32 @p2 $0x1  }
0x17: {  	s4 =	simm.s32 $0x1BF5;
	[smem:$0x3FBA] =	sst s0  }
0x18: {  	s0 =	sld [smem:$0x3F9D];
	_ =	swait.ge [sflag:s4], $0x0  }
0x19: {  	s7 =	sld [smem:$0x3F9E]  }
0x1a: {  	s8 =	sadd.s32 $0xFFFFE003, lr  }
0x1b: {  	s9 =	sadd.s32 $0xFFFFFEF7, lr;
	s5 =	simm.s32 $0xFFFFFFFF;
	p2 =	slt.u32 s8, $0xFFFFF086  }
0x1c: {  	p1 =	slt.u32 s9, $0xF7A;
	s5 =	simm.s32 @!p2 $0x0  }
0x1d: {  	s5 =	simm.s32 @p1 $0x1;
	p0 =	seq.s32 s7, s2  }
0x1e: {  	s7 =	smul.u32 @!p0 $0xF7A, s2;
	p2 =	seq.s32 @!p0 s5, $0x0  }
0x1f: {  	s9 =	smul.u32 $0xF7A, s1;
	s8 =	simm.s32 @!p0 $0x1BF5;
	p2 =	por !p2, p0  }
0x20: {  	[sflag:s8] =	ssyncset.s32 @!p0 $0xFFFFF086;
	s6 =	sadd.s32 @!p0 s3, s7;
	s7 =	simm.s32 @!p0 $0x108  }
0x21: {  	s3 =	sadd.s32 s3, s9;
	s6 =	sadd.s32 @!p0 $0x88, s6;
	s7 =	simm.s32 @p2 $0x1082  }
0x22: {  	[simem:s7], [sflag:s8] =	dma.local @!p0 [hbm:s6], $0xF7A  }
0x23: {  	s9 =	sor.u32 $0xD0000000, s2;
	s6 =	simm.s32 $0x108;
	_ =	swait.ge @!p0 [sflag:s8], $0x0  }
0x24: {  	s3 =	sadd.s32 $0x88, s3;
	s6 =	simm.s32 @!p1 $0x1082;
	[sflag:s4] =	ssyncset.s32 $0xFFFFF086  }
0x25: {  	[simem:s6], [sflag:s4] =	dma.local [hbm:s3], $0xF7A  }
0x26: {  	[smem:$0x3F9E] =	sst s1;
	(tag) =	ssettag s2;
	_ =	strace s9  }
0x27: {  	s1 =	sld [smem:$0x3FAE]  }
0x28: {  	s2 =	sld [smem:$0x3FAF]  }
0x29: {  	s4 =	sld [smem:$0x3FB1]  }
0x2a: {  	p0 =	seq.s32 s5, $0x0;
	s5 =	sld [smem:$0x3FB2]  }
0x2b: {  	s6 =	sld [smem:$0x3FB3]  }
0x2c: {  	s7 =	sld [smem:$0x3FB4]  }
0x2d: {  	s3 =	simm.s32 $0x108;
	s8 =	sld [smem:$0x3FB5]  }
0x2e: {  	s3 =	simm.s32 @!p0 $0x1082;
	s9 =	sld [smem:$0x3FB6]  }
0x2f: {  	lr =	sadd.s32 s0, s3;
	s0 =	sld [smem:$0x3FAD]  }
0x30: {  	s3 =	sld [smem:$0x3FB0]  }
0x31: {  	[smem:$0x3FB9] =	sst s10  }
0x32: {  	s10 =	sld [smem:$0x3FB7];
	_ =	sdelay $0x3  }
0x33: {  	p0 =	seq.s32 s10, $0x1;
	s10 =	sld [smem:$0x3FB9];
	_ =	sdelay $0x3  }
0x34: {  	[smem:$0x3FB9] =	sst s10  }
0x35: {  	s10 =	sld [smem:$0x3FB8];
	_ =	sdelay $0x3  }
0x36: {  	p1 =	seq.s32 s10, $0x1;
	s10 =	sld [smem:$0x3FB9];
	_ =	sdelay $0x3  }
0x37: {  	[smem:$0x3FB9] =	sst s10  }
0x38: {  	s10 =	sld [smem:$0x3FBA]  }
0x39: {  	_ = 	snop;
	(pc) =	sbr.ind lr, $3  }
0x3a: {  	_ = 	snop  }
0x3b: {  	_ = 	snop  }
0x3c: {  	p2 =	seq.s32 s10, $0x1;
	s10 =	sld [smem:$0x3FB9]  }
0x3d: {  	_ =	shalt  }
0x3e: {  	_ =	shalt  }
0x3f: {  	_ =	shalt  }
0x40: {  	_ =	shalt  }
0x41: {  	_ =	shalt  }
0x42: {  	_ =	shalt  }
0x43: {  	_ =	shalt  }
0x44: {  	_ =	shalt  }
0x45: {  	_ =	shalt  }
0x46: {  	_ =	shalt  }
0x47: {  	_ =	shalt  }
0x48: {  	_ =	shalt  }
0x49: {  	_ =	shalt  }
0x4a: {  	_ =	shalt  }
0x4b: {  	_ =	shalt  }
0x4c: {  	_ =	shalt  }
0x4d: {  	_ =	shalt  }
0x4e: {  	_ =	shalt  }
0x4f: {  	_ =	shalt  }
0x50: {  	_ =	shalt  }
0x51: {  	_ =	shalt  }
0x52: {  	_ =	shalt  }
0x53: {  	_ =	shalt  }
0x54: {  	_ =	shalt  }
0x55: {  	_ =	shalt  }
0x56: {  	_ =	shalt  }
0x57: {  	_ =	shalt  }
0x58: {  	_ =	shalt  }
0x59: {  	_ =	shalt  }
0x5a: {  	_ =	shalt  }
0x5b: {  	_ =	shalt  }
0x5c: {  	_ =	shalt  }
0x5d: {  	_ =	shalt  }
0x5e: {  	_ =	shalt  }
0x5f: {  	_ =	shalt  }
0x60: {  	_ =	shalt  }
0x61: {  	_ =	shalt  }
0x62: {  	_ =	shalt  }
0x63: {  	_ =	shalt  }
0x64: {  	_ =	shalt  }
0x65: {  	_ =	shalt  }
0x66: {  	_ =	shalt  }
0x67: {  	_ =	shalt  }
0x68: {  	_ =	shalt  }
0x69: {  	_ =	shalt  }
0x6a: {  	_ =	shalt  }
0x6b: {  	_ =	shalt  }
0x6c: {  	_ =	shalt  }
0x6d: {  	_ =	shalt  }
0x6e: {  	_ =	shalt  }
0x6f: {  	_ =	shalt  }
0x70: {  	_ =	shalt  }
0x71: {  	_ =	shalt  }
0x72: {  	_ =	shalt  }
0x73: {  	_ =	shalt  }
0x74: {  	_ =	shalt  }
0x75: {  	_ =	shalt  }
0x76: {  	_ =	shalt  }
0x77: {  	_ =	shalt  }
0x78: {  	_ =	shalt  }
0x79: {  	_ =	shalt  }
0x7a: {  	_ =	shalt  }
0x7b: {  	_ =	shalt  }
0x7c: {  	_ =	shalt  }
0x7d: {  	_ =	shalt  }
0x7e: {  	_ =	shalt  }
0x7f: {  	_ =	shalt  }
0x80: {  	_ =	shalt  }
0x81: {  	_ =	shalt  }
0x82: {  	_ =	shalt  }
0x83: {  	_ =	shalt  }
0x84: {  	_ =	shalt  }
0x85: {  	_ =	shalt  }
0x86: {  	_ =	shalt  }
0x87: {  	_ =	shalt  }
.Lfunc_end0:
.L_simem_size_0:
called_computation_lowered:
.L_overlay_start_0:
0x88: {  	s2 =	sld [smem:$0x3FD9]  }
0x89: {  	s3 =	sld [smem:$0x3FFE];
	_ =	sdelay $0x1  }
0x8a: {  	s1 =	srdreg.scid  }
0x8b: {  	s0 =	sand.u32 $0x1, s1  }
0x8c: {  	s16 =	sshll.u32 s0, $0xA;
	s2 =	sadd.s32 s3, s2  }
0x8d: {  	s2 =	sadd.s32 s2, s16  }
0x8e: {  	[smem:$0x3FC5] =	sst s2  }
0x8f: {  	_ = 	snop  }
0x90: {  	(tm) =	ssettm $0x1  }
0x91: {  	s17 =	sld [smem:$0x3FFB];
	_ =	sdelay $0x3  }
0x92: {  	_ =	strace s17  }
0x93: {  	s2 =	sld [smem:$0x3FFC];
	_ =	sdelay $0x3  }
0x94: {  	_ =	strace s2  }
0x95: {  	s2 =	sld [smem:$0x3FFD];
	_ =	sdelay $0x3  }
0x96: {  	_ =	strace s2  }
0x97: {  	_ =	strace $0x8FFFFFFF  }
0x98: {  	s18 =	sld [smem:$0x3FDB];
	_ =	sdelay $0x1  }
0x99: {  	s19 =	simm.s32 $_scs_section_size  }
0x9a: {  	s4 =	simm.s32 $_size__tile_overlayer_lowered;
	s5 =	simm.s32 $_tile_overlayer_lowered  }
0x9b: {  	s22 =	simm.s32 $0x1BFF;
	s21 =	sshll.u32 s5, $0x1;
	s2 =	sadd.s32 s19, s18  }
0x9c: {  	s6 =	simm.s32 $0x0;
	s20 =	sshll.u32 s4, $0x1;
	s4 =	sadd.s32 s21, s2  }
0x9d: {  	[timem:s6], [sflag:s22] =	dma.local [hbm:s4], s20  }
0x9e: {  	_ =	swait.ge [sflag:s22], s20  }
0x9f: {  	s3 =	ssub.s32 $0x0, s20;
	[sflag:s22] =	ssyncset.done $0x0  }
0xa0: {  	[sflag:s22] =	ssyncadd.s32 s3;
	_ =	sdelay $0x1  }
0xa1: {  	s23 =	simm.s32 $0x1B8B  }
0xa2: {  	_ =	swait.ge [sflag:s23], $0x1  }
0xa3: {  	[sflag:s23] =	ssyncset.done $0x0  }
0xa4: {  	s25 =	simm.s32 $0x1B8E;
	s24 =	sld [smem:$0x3FFE];
	[sflag:s23] =	ssyncadd.s32 $0xFFFFFFFF  }
0xa5: {  	s26 =	simm.s32 $execute0_lowered;
	[smem:$0x3FD2] =	sst s25  }
0xa6: {  	s4 =	sshll.u32 s26, $0x1;
	_ =	strace $0x80000046;
	[dreg:$0x1] =	wrdreg $0xFFFFFFFF  }
0xa7: {  	s28 =	simm.s32 $_size_execute0_lowered;
	s2 =	sadd.s32 s2, s4;
	[dreg:$0x0] =	wrdreg $0x0  }
0xa8: {  	s4 =	sshll.u32 s28, $0x1;
	[dreg:$0x2] =	wrdreg s2  }
0xa9: {  	[dreg:$0x3] =	wrdreg s4  }
0xaa: {  	[dreg:$0x4] =	wrdreg $0xC0  }
0xab: {  	_ =	task [dreg:s6], $0x5FFFF  }
0xac: {  	[dreg:$0x1] =	wrdreg $0xFFFFFFFF  }
0xad: {  	[dreg:$0x0] =	wrdreg $0x60  }
0xae: {  	[dreg:$0x2] =	wrdreg s24  }
0xaf: {  	[dreg:$0x3] =	wrdreg $0x82000  }
0xb0: {  	[dreg:$0x4] =	wrdreg $0x9  }
0xb1: {  	_ =	task.clear_ibuf [dreg:s6], $0x5FFFF;
	_ =	strace $0x90000046  }
0xb2: {  	s29 =	simm.s32 $0x9;
	_ =	strace $0x80000048  }
0xb3: {  	_ =	swait.ge [sflag:s29], $0x1  }
0xb4: {  	[sflag:s29] =	ssyncadd.s32 $0xFFFFFFFF  }
0xb5: {  	_ =	strace $0x90000048  }
0xb6: {  	_ =	sfence  }
0xb7: {  	s30 =	sld [smem:$0x0];
	_ =	sdelay $0x2  }
0xb8: {  	s31 =	sshll.u32 s1, $0xD;
	s1 =	sshrl.u32 s1, $0x2  }
0xb9: {  	s3 =	sand.u32 $0x4000, s31;
	s1 =	sadd.s32 s1, s30  }
0xba: {  	s0 =	sor.u32 s3, s0;
	s1 =	sshll.u32 s1, $0x11  }
0xbb: {  	s0 =	sor.u32 s1, s0  }
0xbc: {  	s0 =	sadd.s32 $0x8F2B, s0  }
0xbd: {  	[sflag:s0] =	ssyncadd.remote.s32 $0x1  }
0xbe: {  	_ =	sfence.sel $0xFFFF  }
0xbf: {  	[dreg:$0x0] =	wrdreg $0xFFFFFFFF;
	(pc) =	sbr.abs _section_cstart, $3  }
0xc0: {  	[dreg:$0x1] =	wrdreg $0xFFFFFFFF  }
0xc1: {  	_ =	task.clear_ibuf [dreg:s6], $0x2FFFF;
	_ =	strace $0x9FFFFFFF  }
0xc2: {  	(tm) =	ssettm $0x7FFFFFFF  }
0xc3: {  	_ =	shalt  }
tec
execute0_lowered:
.L_overlay_start_1:
0x0: {  	(tag) =	ssettag $0x1  }
0x1: {  	s0 =	srdreg.scid  }
0x2: {  	s20 =	rddreg [dreg:$0x0];
	s7 =	stileid.u32;
	s21 =	sand.u32 $0x1, s0  }
0x3: {  	s1 =	rddreg [dreg:$0x1];
	s3 =	sshll.u32 s7, $0xA;
	s4 =	sshll.u32 s21, $0x9  }
0x4: {  	s2 =	simm.s32 $0x0;
	s5 =	simm.s32 $0x3;
	s3 =	sor.u32 s4, s3  }
0x5: {  	s0 =	rddreg [dreg:$0x2];
	s4 =	sshll.u32 s3, $0x4;
	s3 =	sshrl.u32 s3, $0x3  }
0x6: {  	[smem:$0x7FF] =	sst s2;
	p0 =	sne.s32 s7, $0x0;
	s30 =	sadd.s32 s3, s20  }
0x7: {  	_ =	strace $0x80000047;
	s17 =	sadd.s32 s4, s20;
	s4 =	sadd.s32 $0x40A00, s30  }
0x8: {  	[tilespmem:s2], [sflag:$0x3] =	stream.linear.gather [hbm4b:s4+s2], $0x200, $0x38;
	[tilespmem:$0x9200] =	vst v63  }
0x9: {  	s7 =	simm.s32 $0x200;
	s9 =	sshrl.u32 @!p0 s1, $0x3;
	_ =	swait.ge [sflag:s5], $0x200  }
0xa: {  	s10 =	simm.s32 @!p0 $0x1C03;
	s8 =	simm.s32 @!p0 $0x3;
	[sflag:s5] =	ssyncset.done $0x0  }
0xb: {  	s3 =	sadd.s32 $0x41200, s20;
	s6 =	sadd.s32 $0x800, s17;
	[sflag:s5] =	ssyncadd.s32 $0xFFFFFE00  }
0xc: {  	[tilespmem:s7], [sflag:$0x1] =	stream.linear.gather [hbm4b:s6+s2], $0x4000, $0x38;
	[tilespmem:$0x9200] =	vst v63  }
0xd: {  	[spmem:s9], [sflag:s10] =	dma.local @!p0 [hbm:s3], $0x2000  }
0xe: {  	_ =	swait.ge @!p0 [sflag:s8], $0x2000  }
0xf: {  	[sflag:s8] =	ssyncset.done @!p0 $0x0  }
0x10: {  	s12 =	simm.s32 $0x4200;
	[sflag:s8] =	ssyncadd.s32 @!p0 $0xFFFFE000  }
0x11: {  	s13 =	simm.s32 $0x1;
	s11 =	sadd.s32 $0x1000, s17;
	[bflag:$0x0] =	sbarrier.arrive $0xFFFF  }
0x12: {  	[tilespmem:s12], [sflag:$0x2] =	stream.linear.gather [hbm4b:s11+s2], $0x4000, $0x38;
	[tilespmem:$0x9200] =	vst v63  }
0x13: {  	_ =	swait.ge [sflag:s13], $0x4000  }
0x14: {  	[sflag:s13] =	ssyncset.done $0x0  }
0x15: {  	s14 =	simm.s32 $0x80;
	[sflag:s13] =	ssyncadd.s32 $0xFFFFC000  }
0x16: {  	[spmem:s1] =	stream.indirect.scatter.add.f32 [tilespmem:s7], [sflag:$0x3], $0x80, s2, s14, $0xb8;
	[tilespmem:$0x9200] =	vst v63  }
0x17: {  	_ =	swait.ge [sflag:s5], $0x4000  }
0x18: {  	[sflag:s5] =	ssyncset.done $0x0  }
0x19: {  	s16 =	simm.s32 $0x2;
	s15 =	sadd.s32 $0x1800, s17;
	[sflag:s5] =	ssyncadd.s32 $0xFFFFC000  }
0x1a: {  	[tilespmem:s7], [sflag:$0x1] =	stream.linear.gather [hbm4b:s15+s2], $0x4000, $0x38;
	[tilespmem:$0x9200] =	vst v63  }
0x1b: {  	_ =	swait.ge [sflag:s16], $0x4000  }
0x1c: {  	[sflag:s16] =	ssyncset.done $0x0  }
0x1d: {  	[sflag:s16] =	ssyncadd.s32 $0xFFFFC000  }
0x1e: {  	[spmem:s1] =	stream.indirect.scatter.add.f32 [tilespmem:s12], [sflag:$0x3], $0x80, s14, s14, $0xb8;
	[tilespmem:$0x9200] =	vst v63  }
0x1f: {  	_ =	swait.ge [sflag:s5], $0x4000  }
0x20: {  	[sflag:s5] =	ssyncset.done $0x0  }
0x21: {  	s17 =	sadd.s32 $0x2000, s17;
	[sflag:s5] =	ssyncadd.s32 $0xFFFFC000  }
0x22: {  	[tilespmem:s12], [sflag:$0x2] =	stream.linear.gather [hbm4b:s17+s2], $0x4000, $0x38;
	[tilespmem:$0x9200] =	vst v63  }
0x23: {  	_ =	swait.ge [sflag:s13], $0x4000  }
0x24: {  	[sflag:s13] =	ssyncset.done $0x0  }
0x25: {  	s18 =	simm.s32 $0x100;
	[sflag:s13] =	ssyncadd.s32 $0xFFFFC000  }
0x26: {  	[spmem:s1] =	stream.indirect.scatter.add.f32 [tilespmem:s7], [sflag:$0x3], $0x80, s18, s14, $0xb8;
	[tilespmem:$0x9200] =	vst v63  }
0x27: {  	_ =	swait.ge [sflag:s5], $0x4000  }
0x28: {  	[sflag:s5] =	ssyncset.done $0x0  }
0x29: {  	s22 =	ssub.s32 $0x2, s21;
	[sflag:s5] =	ssyncadd.s32 $0xFFFFC000  }
0x2a: {  	s23 =	sshrl.u32 s22, $0x1;
	_ =	swait.ge [sflag:s16], $0x4000  }
0x2b: {  	s19 =	simm.s32 $0x180;
	s22 =	ssub.s32 s22, s23;
	[sflag:s16] =	ssyncset.done $0x0  }
0x2c: {  	s21 =	sshll.u32 s21, $0xD;
	s31 =	smax.u32 s22, $0x1;
	[sflag:s16] =	ssyncadd.s32 $0xFFFFC000  }
0x2d: {  	[spmem:s1] =	stream.indirect.scatter.add.f32 [tilespmem:s12], [sflag:$0x3], $0x80, s19, s14, $0xb8;
	[tilespmem:$0x9200] =	vst v63  }
0x2e: {  	s20 =	sadd.s32 s21, s20;
	s21 =	sadd.s32 $0xFFFFFFFF, s31;
	_ =	swait.ge [sflag:s5], $0x4000  }
0x2f: {  	p1 =	sne.s32 s21, $0x0;
	[sflag:s5] =	ssyncset.done $0x0  }
.Ltmp0:
0x30: {  	[sflag:s5] =	ssyncadd.s32 $0xFFFFC000;
	(pc) =	sbr.rel @!p1 .LBB2_2-.Ltmp0, $4  }
0x31: {  	s20 =	sadd.s32 $0x43200, s20;
	[bflag:$0x0] =	sbarrier.arrive $0xFFFF  }
0x32: {  	[hbm:s20], [sflag:s10] =	dma.local @!p0 [spmem:s9], $0x2000  }
0x33: {  	_ =	swait.ge @!p0 [sflag:s8], $0x2000  }
0x34: {  	[sflag:s8] =	ssyncset.done @!p0 $0x0  }
.LBB2_1:
0x35: {  	s21 =	sadd.s32 $0xFFFFFFFF, s21;
	[sflag:s8] =	ssyncadd.s32 @!p0 $0xFFFFE000  }
0x36: {  	[tilespmem:s2], [sflag:$0x3] =	stream.linear.gather [hbm4b:s4+s2], $0x200, $0x38;
	[tilespmem:$0x9200] =	vst v63  }
0x37: {  	p1 =	sne.s32 s21, $0x0;
	_ =	swait.ge [sflag:s5], $0x200  }
0x38: {  	[sflag:s5] =	ssyncset.done $0x0  }
0x39: {  	[sflag:s5] =	ssyncadd.s32 $0xFFFFFE00  }
0x3a: {  	[tilespmem:s7], [sflag:$0x1] =	stream.linear.gather [hbm4b:s6+s2], $0x4000, $0x38;
	[tilespmem:$0x9200] =	vst v63  }
0x3b: {  	[spmem:s9], [sflag:s10] =	dma.local @!p0 [hbm:s3], $0x2000  }
0x3c: {  	_ =	swait.ge @!p0 [sflag:s8], $0x2000  }
0x3d: {  	[sflag:s8] =	ssyncset.done @!p0 $0x0  }
0x3e: {  	[sflag:s8] =	ssyncadd.s32 @!p0 $0xFFFFE000  }
0x3f: {  	[bflag:$0x0] =	sbarrier.arrive $0xFFFF  }
0x40: {  	[tilespmem:s12], [sflag:$0x2] =	stream.linear.gather [hbm4b:s11+s2], $0x4000, $0x38;
	[tilespmem:$0x9200] =	vst v63  }
0x41: {  	_ =	swait.ge [sflag:s13], $0x4000  }
0x42: {  	[sflag:s13] =	ssyncset.done $0x0  }
0x43: {  	[sflag:s13] =	ssyncadd.s32 $0xFFFFC000  }
0x44: {  	[spmem:s1] =	stream.indirect.scatter.add.f32 [tilespmem:s7], [sflag:$0x3], $0x80, s2, s14, $0xb8;
	[tilespmem:$0x9200] =	vst v63  }
0x45: {  	_ =	swait.ge [sflag:s5], $0x4000  }
0x46: {  	[sflag:s5] =	ssyncset.done $0x0  }
0x47: {  	[sflag:s5] =	ssyncadd.s32 $0xFFFFC000  }
0x48: {  	[tilespmem:s7], [sflag:$0x1] =	stream.linear.gather [hbm4b:s15+s2], $0x4000, $0x38;
	[tilespmem:$0x9200] =	vst v63  }
0x49: {  	_ =	swait.ge [sflag:s16], $0x4000  }
0x4a: {  	[sflag:s16] =	ssyncset.done $0x0  }
0x4b: {  	[sflag:s16] =	ssyncadd.s32 $0xFFFFC000  }
0x4c: {  	[spmem:s1] =	stream.indirect.scatter.add.f32 [tilespmem:s12], [sflag:$0x3], $0x80, s14, s14, $0xb8;
	[tilespmem:$0x9200] =	vst v63  }
0x4d: {  	_ =	swait.ge [sflag:s5], $0x4000  }
0x4e: {  	[sflag:s5] =	ssyncset.done $0x0  }
0x4f: {  	[sflag:s5] =	ssyncadd.s32 $0xFFFFC000  }
0x50: {  	[tilespmem:s12], [sflag:$0x2] =	stream.linear.gather [hbm4b:s17+s2], $0x4000, $0x38;
	[tilespmem:$0x9200] =	vst v63  }
0x51: {  	_ =	swait.ge [sflag:s13], $0x4000  }
0x52: {  	[sflag:s13] =	ssyncset.done $0x0  }
0x53: {  	[sflag:s13] =	ssyncadd.s32 $0xFFFFC000  }
0x54: {  	[spmem:s1] =	stream.indirect.scatter.add.f32 [tilespmem:s7], [sflag:$0x3], $0x80, s18, s14, $0xb8;
	[tilespmem:$0x9200] =	vst v63  }
0x55: {  	_ =	swait.ge [sflag:s5], $0x4000  }
0x56: {  	[sflag:s5] =	ssyncset.done $0x0  }
0x57: {  	[sflag:s5] =	ssyncadd.s32 $0xFFFFC000  }
0x58: {  	_ =	swait.ge [sflag:s16], $0x4000  }
0x59: {  	[sflag:s16] =	ssyncset.done $0x0  }
0x5a: {  	[sflag:s16] =	ssyncadd.s32 $0xFFFFC000  }
0x5b: {  	[spmem:s1] =	stream.indirect.scatter.add.f32 [tilespmem:s12], [sflag:$0x3], $0x80, s19, s14, $0xb8;
	[tilespmem:$0x9200] =	vst v63  }
0x5c: {  	_ =	swait.ge [sflag:s5], $0x4000  }
0x5d: {  	[sflag:s5] =	ssyncset.done $0x0  }
.Ltmp1:
0x5e: {  	[sflag:s5] =	ssyncadd.s32 $0xFFFFC000;
	(pc) =	sbr.rel @p1 .LBB2_1-.Ltmp1, $4  }
0x5f: {  	[bflag:$0x0] =	sbarrier.arrive $0xFFFF  }
0x60: {  	[hbm:s20], [sflag:s10] =	dma.local @!p0 [spmem:s9], $0x2000  }
0x61: {  	_ =	swait.ge @!p0 [sflag:s8], $0x2000  }
0x62: {  	[sflag:s8] =	ssyncset.done @!p0 $0x0  }
.LBB2_2:
0x63: {  	[sflag:s8] =	ssyncadd.s32 @!p0 $0xFFFFE000  }
0x64: {  	_ =	sfence.sel $0x180000  }
0x65: {  	[bflag:$0x0] =	sbarrier.arrive $0xFFFF  }
0x66: {  	_ =	strace $0x90000047  }
0x67: {  	s0 =	sadd.s32 @!p0 $0x100000, s0;
	[bflag:$0x2] =	sbarrier.arrive $0xFFFF  }
0x68: {  	[sflag:s0] =	ssyncadd.tile.s32 @!p0 $0x1;
	_ =	shalt  }
.Lfunc_end2:
_tile_overlayer_lowered:
.L_overlay_start_2:
0x69: {  	(tag) =	ssettag $0x2  }
0x6a: {  	s0 =	rddreg [dreg:$0x0];
	s2 =	stileid.u32  }
0x6b: {  	s1 =	rddreg [dreg:$0x1];
	p0 =	sne.s32 s2, $0x0  }
0x6c: {  	s3 =	rddreg [dreg:$0x2];
	[bflag:$0x3] =	sbarrier.arrive $0xFFFF;
	s2 =	simm.s32 @!p0 $0x1C03  }
0x6d: {  	[timem:s3], [sflag:s2] =	dma.local @!p0 [hbm:s0], s1  }
0x6e: {  	s0 =	simm.s32 @!p0 $0x3  }
0x6f: {  	_ =	swait.ge @!p0 [sflag:s0], s1  }
0x70: {  	s1 =	ssub.s32 @!p0 $0x0, s1;
	[sflag:s0] =	ssyncset.done @!p0 $0x0  }
0x71: {  	[sflag:s0] =	ssyncadd.s32 @!p0 s1  }
0x72: {  	[bflag:$0x3] =	sbarrier.arrive $0xFFFF  }
0x73: {  	_ =	shalt  }

</sc_bundles>
